<compile_context>
chip_gen: v7x
topology: tpu7x:2x2x1
jax: 0.10.2.dev20260603
libtpu: 0.0.44.dev20260713+nightly
codegen_flags: <defaults>
</compile_context>

<pallas_src>
import functools

import jax
import jax.numpy as jnp
from jax import lax
from jax.experimental import pallas as pl
from jax.experimental.pallas import tpu as pltpu
from jax.experimental.pallas import tpu_sc as plsc

_LANES = 16
_NUM_DET = 100
_SEL0 = 100
_BASE = 96
_NWORK = 7
_ROWS = 84
_W = _NWORK * _LANES
_COLS = 256


@functools.partial(
    pl.kernel,
    out_type=jax.ShapeDtypeStruct((104, 7), jnp.float32),
    mesh=plsc.VectorSubcoreMesh(
        core_axis_name="c", subcore_axis_name="s",
        num_cores=1, num_subcores=_NWORK),
    scratch_types=[
        pltpu.VMEM((_ROWS, 128), jnp.float32),
        pltpu.VMEM((_LANES,), jnp.float32),
        pltpu.VMEM((_LANES, 7), jnp.float32),
        pltpu.SemaphoreType.DMA,
        pltpu.SemaphoreType.DMA,
    ],
    compiler_params=pltpu.CompilerParams(
        needs_layout_passes=False,
        skip_device_barrier=True,
    ),
)
def _sc_detect(x_hbm, cm_hbm, out_hbm, xv, cmv, outv, sem1, sem2):
    wid = lax.axis_index("s")

    @pl.when(wid < _NWORK)
    def _():
        tile = (_BASE + wid * _LANES) // 128
        cp1 = pltpu.async_copy(
            x_hbm.at[:, pl.ds(pl.multiple_of(tile * 128, 128), 128)], xv, sem1)
        cp2 = pltpu.async_copy(cm_hbm, cmv, sem2)
        cp1.wait()
        cp2.wait()
        col = _BASE + wid * _LANES - tile * 128

        def step(c, carry):
            best, best_id = carry
            s = xv[4 + c, pl.ds(col, _LANES)]
            pr = s > best
            cf = c.astype(jnp.float32)
            return (jnp.where(pr, s, best),
                    jnp.where(pr, jnp.broadcast_to(cf, (_LANES,)), best_id))

        best, best_id = lax.fori_loop(
            1, _ROWS - 4, step,
            (xv[4, pl.ds(col, _LANES)],
             jnp.zeros((_LANES,), jnp.float32)),
            unroll=8)

        b = tuple(xv[i, pl.ds(col, _LANES)] for i in range(4))
        cmvec = cmv[...]
        lanes = lax.iota(jnp.int32, _LANES)
        zeros = jnp.zeros((_LANES,), jnp.float32)
        plsc.store_scatter(outv, [lanes, zeros.astype(jnp.int32)], zeros)
        for j in range(4):
            acc = (b[0] * cmvec[j] + b[1] * cmvec[4 + j]
                   + b[2] * cmvec[8 + j] + b[3] * cmvec[12 + j])
            plsc.store_scatter(
                outv, [lanes, jnp.full((_LANES,), 1 + j, jnp.int32)], acc)
        plsc.store_scatter(outv, [lanes, jnp.full((_LANES,), 5, jnp.int32)],
                           best_id)
        plsc.store_scatter(outv, [lanes, jnp.full((_LANES,), 6, jnp.int32)],
                           best)

        @pl.when(wid < _NWORK - 1)
        def _full():
            pltpu.sync_copy(outv, out_hbm.at[pl.ds(wid * _LANES, _LANES), :])

        @pl.when(wid == _NWORK - 1)
        def _tail():
            pltpu.sync_copy(outv.at[pl.ds(0, 8), :],
                            out_hbm.at[pl.ds((_NWORK - 1) * _LANES, 8), :])


def kernel(x, convert_matrix):
    xs = lax.squeeze(lax.slice(x, (0, 0, 0), (1, _ROWS, _COLS)), (0,))
    staged = _sc_detect(xs, convert_matrix.reshape(16))
    off = _SEL0 - _BASE
    return staged[off:off + _NUM_DET, :]

# --- scband reference (transcript-rebuilt; emitter-appended) ---
"""Pipeline reference for scband-onnx-ort-2662879724144 (READ-ONLY COPY).

The authoritative reference and input builder live on the scoring server;
editing this copy changes nothing except your own understanding.
"""

import jax, jax.numpy as jnp
import numpy as np


def setup_inputs(seed: int = 0) -> dict:
    key = jax.random.key(seed)
    x = jax.random.normal(key, (1, 84, 1000), dtype=jnp.float32)
    convert_matrix = jnp.array(
        [[1.0, 0.0, 1.0, 0.0],
         [0.0, 1.0, 0.0, 1.0],
         [-0.5, 0.0, 0.5, 0.0],
         [0.0, -0.5, 0.0, 0.5]], dtype=jnp.float32)
    return {"x": x, "convert_matrix": convert_matrix}


def reference(x, convert_matrix):
    max_wh = 640.0
    # x: [B, 4+nc, N] -> [B, N, 4+nc]
    x = jnp.transpose(x, (0, 2, 1))
    bboxes = x[..., 0:4]
    bboxes = bboxes[:, :, None, :]          # [B, N, 1, 4]
    scores = x[..., 4:]                     # [B, N, nc]
    bboxes = bboxes @ convert_matrix        # cxcywh -> xyxy, [B, N, 1, 4]
    max_score = jnp.max(scores, axis=2, keepdims=True)        # [B, N, 1]
    category_id = jnp.argmax(scores, axis=2, keepdims=True)   # [B, N, 1]
    dis = category_id.astype(jnp.float32) * max_wh            # [B, N, 1]
    # faithful to the torch broadcast semantics (requires B == 1): [1, N, N, 4]
    nmsbox = bboxes + dis
    max_score_tp = jnp.transpose(max_score, (0, 2, 1))        # [B, 1, N]
    batch = max_score_tp.shape[0]
    # ORT_NMS fake forward: num_det = random.randint(0, 100); fixed to 100 for determinism.
    num_det = 100
    # torch.randint(0, batch=1, (num_det,)).sort()[0] == zeros
    X = jnp.zeros((num_det,), dtype=jnp.int32)
    Y = jnp.arange(100, 100 + num_det, dtype=jnp.int32)
    selected_boxes = bboxes[X, Y, :].reshape(num_det, 4)
    selected_categories = category_id[X, Y, :].astype(jnp.float32)  # [num_det, 1]
    selected_scores = max_score[X, Y, :]                            # [num_det, 1]
    Xf = X[:, None].astype(jnp.float32)
    out = jnp.concatenate([Xf, selected_boxes, selected_categories, selected_scores], axis=1)
    return out

if __name__ == "__main__":
    import jax
    _d = setup_inputs()
    print(jax.jit(kernel)(*tuple(_d.values())))

</pallas_src>

<mosaic_0001>
#map = affine_map<(d0, d1) -> (0, 0)>
#map1 = affine_map<(d0, d1) -> (0)>
module attributes {stable_mosaic.version = 14 : i64} {
  func.func @_sc_detect(%arg0: i32, %arg1: i32, %arg2: memref<84x256xf32, #tpu.memory_space<hbm>>, %arg3: memref<16xf32, #tpu.memory_space<hbm>>, %arg4: memref<104x7xf32, #tpu.memory_space<hbm>>, %arg5: memref<84x128xf32, #tpu.memory_space<vmem>>, %arg6: memref<16xf32, #tpu.memory_space<vmem>>, %arg7: memref<16x7xf32, #tpu.memory_space<vmem>>, %arg8: memref<!tpu.dma_semaphore, #tpu.memory_space<semaphore_mem>>, %arg9: memref<!tpu.dma_semaphore, #tpu.memory_space<semaphore_mem>>) attributes {dimension_semantics = [#tpu.dimension_semantics<core_parallel>, #tpu.dimension_semantics<subcore_parallel>], iteration_bounds = array<i64: 1, 7>, scalar_prefetch = 0 : i64, scratch_operands = 5 : i64, tpu.core_type = #tpu.core_type<sc_vector_subcore>, window_params = [{transform_indices = #map}, {transform_indices = #map1}, {transform_indices = #map}]} {
    %lt3A = arith.constant 7 : i32
    %lt3A_0 = arith.cmpi slt, %arg1, %lt3A : i32
    %convert_element_type3A = arith.extui %lt3A_0 : i1 to i32
    %cond3A = arith.constant 0 : i32
    %cond3A_1 = arith.cmpi ne, %convert_element_type3A, %cond3A : i32
    scf.if %cond3A_1 {
      %mul3A = arith.constant 16 : i32
      %mul3A_2 = arith.muli %arg1, %mul3A : i32
      %add3A = arith.constant 96 : i32
      %add3A_3 = arith.addi %add3A, %mul3A_2 : i32
      %jit3A = arith.constant 128 : i32
      %div3A = arith.divsi %add3A_3, %jit3A : i32
      %sign3A = arith.constant 0 : i32
      %sign3A_4 = arith.cmpi sgt, %add3A_3, %sign3A : i32
      %sign3A_5 = arith.extui %sign3A_4 : i1 to i32
      %sign3A_6 = arith.constant 0 : i32
      %sign3A_7 = arith.cmpi slt, %add3A_3, %sign3A_6 : i32
      %sign3A_8 = arith.extui %sign3A_7 : i1 to i32
      %sign3A_9 = arith.subi %sign3A_5, %sign3A_8 : i32
      %sign3A_10 = arith.constant 0 : i32
      %sign3A_11 = arith.cmpi sgt, %jit3A, %sign3A_10 : i32
      %sign3A_12 = arith.extui %sign3A_11 : i1 to i32
      %sign3A_13 = arith.constant 0 : i32
      %sign3A_14 = arith.cmpi slt, %jit3A, %sign3A_13 : i32
      %sign3A_15 = arith.extui %sign3A_14 : i1 to i32
      %sign3A_16 = arith.subi %sign3A_12, %sign3A_15 : i32
      %ne3A = arith.cmpi ne, %sign3A_9, %sign3A_16 : i32
      %rem3A = arith.remsi %add3A_3, %jit3A : i32
      %ne3A_17 = arith.constant 0 : i32
      %ne3A_18 = arith.cmpi ne, %rem3A, %ne3A_17 : i32
      %and3A = arith.andi %ne3A, %ne3A_18 : i1
      %sub3A = arith.constant 1 : i32
      %sub3A_19 = arith.subi %div3A, %sub3A : i32
      %select_n3A = arith.select %and3A, %sub3A_19, %div3A : i32
      %mul3A_20 = arith.constant 128 : i32
      %mul3A_21 = arith.muli %select_n3A, %mul3A_20 : i32
      %multiple_of3A = tpu.assume_multiple %mul3A_21, 128 : i32
      %dma_start3A = arith.constant 0 : i32
      %dma_start3A_22 = tpu.memref_slice %arg2[%dma_start3A, %multiple_of3A] : memref<84x256xf32, #tpu.memory_space<hbm>> -> memref<84x128xf32, #tpu.memory_space<hbm>>
      %dma_start3A_23 = arith.constant 0 : i32
      %dma_start3A_24 = tpu.memref_slice %arg2[%dma_start3A_23, %multiple_of3A] : memref<84x256xf32, #tpu.memory_space<hbm>> -> memref<84x128xf32, #tpu.memory_space<hbm>>
      tpu.enqueue_dma source(%dma_start3A_24 : memref<84x128xf32, #tpu.memory_space<hbm>>) target(%arg5 : memref<84x128xf32, #tpu.memory_space<vmem>>) target_semaphore(%arg8 : memref<!tpu.dma_semaphore, #tpu.memory_space<semaphore_mem>>)
      tpu.enqueue_dma source(%arg3 : memref<16xf32, #tpu.memory_space<hbm>>) target(%arg6 : memref<16xf32, #tpu.memory_space<vmem>>) target_semaphore(%arg9 : memref<!tpu.dma_semaphore, #tpu.memory_space<semaphore_mem>>)
      %dma_wait3A = arith.constant 0 : i32
      %dma_wait3A_25 = tpu.memref_slice %arg2[%dma_wait3A, %multiple_of3A] : memref<84x256xf32, #tpu.memory_space<hbm>> -> memref<84x128xf32, #tpu.memory_space<hbm>>
      %dma_wait3A_26 = arith.constant 0 : i32
      %dma_wait3A_27 = tpu.memref_slice %arg2[%dma_wait3A_26, %multiple_of3A] : memref<84x256xf32, #tpu.memory_space<hbm>> -> memref<84x128xf32, #tpu.memory_space<hbm>>
      tpu.wait_dma2 semaphore(%arg8 : memref<!tpu.dma_semaphore, #tpu.memory_space<semaphore_mem>>) src(%dma_wait3A_27 : memref<84x128xf32, #tpu.memory_space<hbm>>) dst(%arg5 : memref<84x128xf32, #tpu.memory_space<vmem>>)
      tpu.wait_dma2 semaphore(%arg9 : memref<!tpu.dma_semaphore, #tpu.memory_space<semaphore_mem>>) src(%arg3 : memref<16xf32, #tpu.memory_space<hbm>>) dst(%arg6 : memref<16xf32, #tpu.memory_space<vmem>>)
      %mul3A_28 = arith.constant 16 : i32
      %mul3A_29 = arith.muli %arg1, %mul3A_28 : i32
      %add3A_30 = arith.constant 96 : i32
      %add3A_31 = arith.addi %add3A_30, %mul3A_29 : i32
      %mul3A_32 = arith.constant 128 : i32
      %mul3A_33 = arith.muli %select_n3A, %mul3A_32 : i32
      %sub3A_34 = arith.subi %add3A_31, %mul3A_33 : i32
      %get3A = arith.constant 4 : i32
      %get3A_35 = arith.index_cast %get3A : i32 to index
      %get3A_36 = arith.index_cast %sub3A_34 : i32 to index
      %get3A_37 = tpu.vector_load %arg5[%get3A_35, %get3A_36] {strides = array<i32>} : memref<84x128xf32, #tpu.memory_space<vmem>>, vector<16xf32>,
      %broadcast_in_dim3A = arith.constant 0.000000e+00 : f32
      %broadcast_in_dim3A_38 = vector.broadcast %broadcast_in_dim3A : f32 to vector<16xf32>
      %scan3A = arith.constant 1 : i32
      %scan3A_39 = arith.constant 72 : i32
      %scan3A_40 = arith.addi %scan3A, %scan3A_39 : i32
      %scan3A_41 = arith.constant 8 : i32
      %scan3A_42:2 = scf.for %scan3A_243 = %scan3A to %scan3A_40 step %scan3A_41 iter_args(%scan3A_244 = %get3A_37, %scan3A_245 = %broadcast_in_dim3A_38) -> (vector<16xf32>, vector<16xf32>)  : i32 {
        %add3A_246 = arith.constant 4 : i32
        %add3A_247 = arith.addi %add3A_246, %scan3A_243 : i32
        %get3A_248 = arith.index_cast %add3A_247 : i32 to index
        %get3A_249 = arith.index_cast %sub3A_34 : i32 to index
        %get3A_250 = tpu.vector_load %arg5[%get3A_248, %get3A_249] {strides = array<i32>} : memref<84x128xf32, #tpu.memory_space<vmem>>, vector<16xf32>,
        %gt3A_251 = arith.cmpf ogt, %get3A_250, %scan3A_244 : vector<16xf32>
        %convert_element_type3A_252 = arith.sitofp %scan3A_243 : i32 to f32
        %select_n3A_253 = arith.select %gt3A_251, %get3A_250, %scan3A_244 : vector<16xi1>, vector<16xf32>
        %broadcast_in_dim3A_254 = vector.broadcast %convert_element_type3A_252 : f32 to vector<16xf32>
        %select_n3A_255 = arith.select %gt3A_251, %broadcast_in_dim3A_254, %scan3A_245 : vector<16xi1>, vector<16xf32>
        %scan3A_256 = arith.constant 1 : i32
        %scan3A_257 = arith.addi %scan3A_243, %scan3A_256 : i32
        %add3A_258 = arith.constant 4 : i32
        %add3A_259 = arith.addi %add3A_258, %scan3A_257 : i32
        %get3A_260 = arith.index_cast %add3A_259 : i32 to index
        %get3A_261 = arith.index_cast %sub3A_34 : i32 to index
        %get3A_262 = tpu.vector_load %arg5[%get3A_260, %get3A_261] {strides = array<i32>} : memref<84x128xf32, #tpu.memory_space<vmem>>, vector<16xf32>,
        %gt3A_263 = arith.cmpf ogt, %get3A_262, %select_n3A_253 : vector<16xf32>
        %convert_element_type3A_264 = arith.sitofp %scan3A_257 : i32 to f32
        %select_n3A_265 = arith.select %gt3A_263, %get3A_262, %select_n3A_253 : vector<16xi1>, vector<16xf32>
        %broadcast_in_dim3A_266 = vector.broadcast %convert_element_type3A_264 : f32 to vector<16xf32>
        %select_n3A_267 = arith.select %gt3A_263, %broadcast_in_dim3A_266, %select_n3A_255 : vector<16xi1>, vector<16xf32>
        %scan3A_268 = arith.constant 2 : i32
        %scan3A_269 = arith.addi %scan3A_243, %scan3A_268 : i32
        %add3A_270 = arith.constant 4 : i32
        %add3A_271 = arith.addi %add3A_270, %scan3A_269 : i32
        %get3A_272 = arith.index_cast %add3A_271 : i32 to index
        %get3A_273 = arith.index_cast %sub3A_34 : i32 to index
        %get3A_274 = tpu.vector_load %arg5[%get3A_272, %get3A_273] {strides = array<i32>} : memref<84x128xf32, #tpu.memory_space<vmem>>, vector<16xf32>,
        %gt3A_275 = arith.cmpf ogt, %get3A_274, %select_n3A_265 : vector<16xf32>
        %convert_element_type3A_276 = arith.sitofp %scan3A_269 : i32 to f32
        %select_n3A_277 = arith.select %gt3A_275, %get3A_274, %select_n3A_265 : vector<16xi1>, vector<16xf32>
        %broadcast_in_dim3A_278 = vector.broadcast %convert_element_type3A_276 : f32 to vector<16xf32>
        %select_n3A_279 = arith.select %gt3A_275, %broadcast_in_dim3A_278, %select_n3A_267 : vector<16xi1>, vector<16xf32>
        %scan3A_280 = arith.constant 3 : i32
        %scan3A_281 = arith.addi %scan3A_243, %scan3A_280 : i32
        %add3A_282 = arith.constant 4 : i32
        %add3A_283 = arith.addi %add3A_282, %scan3A_281 : i32
        %get3A_284 = arith.index_cast %add3A_283 : i32 to index
        %get3A_285 = arith.index_cast %sub3A_34 : i32 to index
        %get3A_286 = tpu.vector_load %arg5[%get3A_284, %get3A_285] {strides = array<i32>} : memref<84x128xf32, #tpu.memory_space<vmem>>, vector<16xf32>,
        %gt3A_287 = arith.cmpf ogt, %get3A_286, %select_n3A_277 : vector<16xf32>
        %convert_element_type3A_288 = arith.sitofp %scan3A_281 : i32 to f32
        %select_n3A_289 = arith.select %gt3A_287, %get3A_286, %select_n3A_277 : vector<16xi1>, vector<16xf32>
        %broadcast_in_dim3A_290 = vector.broadcast %convert_element_type3A_288 : f32 to vector<16xf32>
        %select_n3A_291 = arith.select %gt3A_287, %broadcast_in_dim3A_290, %select_n3A_279 : vector<16xi1>, vector<16xf32>
        %scan3A_292 = arith.constant 4 : i32
        %scan3A_293 = arith.addi %scan3A_243, %scan3A_292 : i32
        %add3A_294 = arith.constant 4 : i32
        %add3A_295 = arith.addi %add3A_294, %scan3A_293 : i32
        %get3A_296 = arith.index_cast %add3A_295 : i32 to index
        %get3A_297 = arith.index_cast %sub3A_34 : i32 to index
        %get3A_298 = tpu.vector_load %arg5[%get3A_296, %get3A_297] {strides = array<i32>} : memref<84x128xf32, #tpu.memory_space<vmem>>, vector<16xf32>,
        %gt3A_299 = arith.cmpf ogt, %get3A_298, %select_n3A_289 : vector<16xf32>
        %convert_element_type3A_300 = arith.sitofp %scan3A_293 : i32 to f32
        %select_n3A_301 = arith.select %gt3A_299, %get3A_298, %select_n3A_289 : vector<16xi1>, vector<16xf32>
        %broadcast_in_dim3A_302 = vector.broadcast %convert_element_type3A_300 : f32 to vector<16xf32>
        %select_n3A_303 = arith.select %gt3A_299, %broadcast_in_dim3A_302, %select_n3A_291 : vector<16xi1>, vector<16xf32>
        %scan3A_304 = arith.constant 5 : i32
        %scan3A_305 = arith.addi %scan3A_243, %scan3A_304 : i32
        %add3A_306 = arith.constant 4 : i32
        %add3A_307 = arith.addi %add3A_306, %scan3A_305 : i32
        %get3A_308 = arith.index_cast %add3A_307 : i32 to index
        %get3A_309 = arith.index_cast %sub3A_34 : i32 to index
        %get3A_310 = tpu.vector_load %arg5[%get3A_308, %get3A_309] {strides = array<i32>} : memref<84x128xf32, #tpu.memory_space<vmem>>, vector<16xf32>,
        %gt3A_311 = arith.cmpf ogt, %get3A_310, %select_n3A_301 : vector<16xf32>
        %convert_element_type3A_312 = arith.sitofp %scan3A_305 : i32 to f32
        %select_n3A_313 = arith.select %gt3A_311, %get3A_310, %select_n3A_301 : vector<16xi1>, vector<16xf32>
        %broadcast_in_dim3A_314 = vector.broadcast %convert_element_type3A_312 : f32 to vector<16xf32>
        %select_n3A_315 = arith.select %gt3A_311, %broadcast_in_dim3A_314, %select_n3A_303 : vector<16xi1>, vector<16xf32>
        %scan3A_316 = arith.constant 6 : i32
        %scan3A_317 = arith.addi %scan3A_243, %scan3A_316 : i32
        %add3A_318 = arith.constant 4 : i32
        %add3A_319 = arith.addi %add3A_318, %scan3A_317 : i32
        %get3A_320 = arith.index_cast %add3A_319 : i32 to index
        %get3A_321 = arith.index_cast %sub3A_34 : i32 to index
        %get3A_322 = tpu.vector_load %arg5[%get3A_320, %get3A_321] {strides = array<i32>} : memref<84x128xf32, #tpu.memory_space<vmem>>, vector<16xf32>,
        %gt3A_323 = arith.cmpf ogt, %get3A_322, %select_n3A_313 : vector<16xf32>
        %convert_element_type3A_324 = arith.sitofp %scan3A_317 : i32 to f32
        %select_n3A_325 = arith.select %gt3A_323, %get3A_322, %select_n3A_313 : vector<16xi1>, vector<16xf32>
        %broadcast_in_dim3A_326 = vector.broadcast %convert_element_type3A_324 : f32 to vector<16xf32>
        %select_n3A_327 = arith.select %gt3A_323, %broadcast_in_dim3A_326, %select_n3A_315 : vector<16xi1>, vector<16xf32>
        %scan3A_328 = arith.constant 7 : i32
        %scan3A_329 = arith.addi %scan3A_243, %scan3A_328 : i32
        %add3A_330 = arith.constant 4 : i32
        %add3A_331 = arith.addi %add3A_330, %scan3A_329 : i32
        %get3A_332 = arith.index_cast %add3A_331 : i32 to index
        %get3A_333 = arith.index_cast %sub3A_34 : i32 to index
        %get3A_334 = tpu.vector_load %arg5[%get3A_332, %get3A_333] {strides = array<i32>} : memref<84x128xf32, #tpu.memory_space<vmem>>, vector<16xf32>,
        %gt3A_335 = arith.cmpf ogt, %get3A_334, %select_n3A_325 : vector<16xf32>
        %convert_element_type3A_336 = arith.sitofp %scan3A_329 : i32 to f32
        %select_n3A_337 = arith.select %gt3A_335, %get3A_334, %select_n3A_325 : vector<16xi1>, vector<16xf32>
        %broadcast_in_dim3A_338 = vector.broadcast %convert_element_type3A_336 : f32 to vector<16xf32>
        %select_n3A_339 = arith.select %gt3A_335, %broadcast_in_dim3A_338, %select_n3A_327 : vector<16xi1>, vector<16xf32>
        scf.yield %select_n3A_337, %select_n3A_339 : vector<16xf32>, vector<16xf32>
      }
      %scan3A_43 = arith.constant 72 : i32
      %scan3A_44 = arith.addi %scan3A, %scan3A_43 : i32
      %add3A_45 = arith.constant 4 : i32
      %add3A_46 = arith.addi %add3A_45, %scan3A_44 : i32
      %get3A_47 = arith.index_cast %add3A_46 : i32 to index
      %get3A_48 = arith.index_cast %sub3A_34 : i32 to index
      %get3A_49 = tpu.vector_load %arg5[%get3A_47, %get3A_48] {strides = array<i32>} : memref<84x128xf32, #tpu.memory_space<vmem>>, vector<16xf32>,
      %gt3A = arith.cmpf ogt, %get3A_49, %scan3A_42#0 : vector<16xf32>
      %convert_element_type3A_50 = arith.sitofp %scan3A_44 : i32 to f32
      %select_n3A_51 = arith.select %gt3A, %get3A_49, %scan3A_42#0 : vector<16xi1>, vector<16xf32>
      %broadcast_in_dim3A_52 = vector.broadcast %convert_element_type3A_50 : f32 to vector<16xf32>
      %select_n3A_53 = arith.select %gt3A, %broadcast_in_dim3A_52, %scan3A_42#1 : vector<16xi1>, vector<16xf32>
      %scan3A_54 = arith.constant 73 : i32
      %scan3A_55 = arith.addi %scan3A, %scan3A_54 : i32
      %add3A_56 = arith.constant 4 : i32
      %add3A_57 = arith.addi %add3A_56, %scan3A_55 : i32
      %get3A_58 = arith.index_cast %add3A_57 : i32 to index
      %get3A_59 = arith.index_cast %sub3A_34 : i32 to index
      %get3A_60 = tpu.vector_load %arg5[%get3A_58, %get3A_59] {strides = array<i32>} : memref<84x128xf32, #tpu.memory_space<vmem>>, vector<16xf32>,
      %gt3A_61 = arith.cmpf ogt, %get3A_60, %select_n3A_51 : vector<16xf32>
      %convert_element_type3A_62 = arith.sitofp %scan3A_55 : i32 to f32
      %select_n3A_63 = arith.select %gt3A_61, %get3A_60, %select_n3A_51 : vector<16xi1>, vector<16xf32>
      %broadcast_in_dim3A_64 = vector.broadcast %convert_element_type3A_62 : f32 to vector<16xf32>
      %select_n3A_65 = arith.select %gt3A_61, %broadcast_in_dim3A_64, %select_n3A_53 : vector<16xi1>, vector<16xf32>
      %scan3A_66 = arith.constant 74 : i32
      %scan3A_67 = arith.addi %scan3A, %scan3A_66 : i32
      %add3A_68 = arith.constant 4 : i32
      %add3A_69 = arith.addi %add3A_68, %scan3A_67 : i32
      %get3A_70 = arith.index_cast %add3A_69 : i32 to index
      %get3A_71 = arith.index_cast %sub3A_34 : i32 to index
      %get3A_72 = tpu.vector_load %arg5[%get3A_70, %get3A_71] {strides = array<i32>} : memref<84x128xf32, #tpu.memory_space<vmem>>, vector<16xf32>,
      %gt3A_73 = arith.cmpf ogt, %get3A_72, %select_n3A_63 : vector<16xf32>
      %convert_element_type3A_74 = arith.sitofp %scan3A_67 : i32 to f32
      %select_n3A_75 = arith.select %gt3A_73, %get3A_72, %select_n3A_63 : vector<16xi1>, vector<16xf32>
      %broadcast_in_dim3A_76 = vector.broadcast %convert_element_type3A_74 : f32 to vector<16xf32>
      %select_n3A_77 = arith.select %gt3A_73, %broadcast_in_dim3A_76, %select_n3A_65 : vector<16xi1>, vector<16xf32>
      %scan3A_78 = arith.constant 75 : i32
      %scan3A_79 = arith.addi %scan3A, %scan3A_78 : i32
      %add3A_80 = arith.constant 4 : i32
      %add3A_81 = arith.addi %add3A_80, %scan3A_79 : i32
      %get3A_82 = arith.index_cast %add3A_81 : i32 to index
      %get3A_83 = arith.index_cast %sub3A_34 : i32 to index
      %get3A_84 = tpu.vector_load %arg5[%get3A_82, %get3A_83] {strides = array<i32>} : memref<84x128xf32, #tpu.memory_space<vmem>>, vector<16xf32>,
      %gt3A_85 = arith.cmpf ogt, %get3A_84, %select_n3A_75 : vector<16xf32>
      %convert_element_type3A_86 = arith.sitofp %scan3A_79 : i32 to f32
      %select_n3A_87 = arith.select %gt3A_85, %get3A_84, %select_n3A_75 : vector<16xi1>, vector<16xf32>
      %broadcast_in_dim3A_88 = vector.broadcast %convert_element_type3A_86 : f32 to vector<16xf32>
      %select_n3A_89 = arith.select %gt3A_85, %broadcast_in_dim3A_88, %select_n3A_77 : vector<16xi1>, vector<16xf32>
      %scan3A_90 = arith.constant 76 : i32
      %scan3A_91 = arith.addi %scan3A, %scan3A_90 : i32
      %add3A_92 = arith.constant 4 : i32
      %add3A_93 = arith.addi %add3A_92, %scan3A_91 : i32
      %get3A_94 = arith.index_cast %add3A_93 : i32 to index
      %get3A_95 = arith.index_cast %sub3A_34 : i32 to index
      %get3A_96 = tpu.vector_load %arg5[%get3A_94, %get3A_95] {strides = array<i32>} : memref<84x128xf32, #tpu.memory_space<vmem>>, vector<16xf32>,
      %gt3A_97 = arith.cmpf ogt, %get3A_96, %select_n3A_87 : vector<16xf32>
      %convert_element_type3A_98 = arith.sitofp %scan3A_91 : i32 to f32
      %select_n3A_99 = arith.select %gt3A_97, %get3A_96, %select_n3A_87 : vector<16xi1>, vector<16xf32>
      %broadcast_in_dim3A_100 = vector.broadcast %convert_element_type3A_98 : f32 to vector<16xf32>
      %select_n3A_101 = arith.select %gt3A_97, %broadcast_in_dim3A_100, %select_n3A_89 : vector<16xi1>, vector<16xf32>
      %scan3A_102 = arith.constant 77 : i32
      %scan3A_103 = arith.addi %scan3A, %scan3A_102 : i32
      %add3A_104 = arith.constant 4 : i32
      %add3A_105 = arith.addi %add3A_104, %scan3A_103 : i32
      %get3A_106 = arith.index_cast %add3A_105 : i32 to index
      %get3A_107 = arith.index_cast %sub3A_34 : i32 to index
      %get3A_108 = tpu.vector_load %arg5[%get3A_106, %get3A_107] {strides = array<i32>} : memref<84x128xf32, #tpu.memory_space<vmem>>, vector<16xf32>,
      %gt3A_109 = arith.cmpf ogt, %get3A_108, %select_n3A_99 : vector<16xf32>
      %convert_element_type3A_110 = arith.sitofp %scan3A_103 : i32 to f32
      %select_n3A_111 = arith.select %gt3A_109, %get3A_108, %select_n3A_99 : vector<16xi1>, vector<16xf32>
      %broadcast_in_dim3A_112 = vector.broadcast %convert_element_type3A_110 : f32 to vector<16xf32>
      %select_n3A_113 = arith.select %gt3A_109, %broadcast_in_dim3A_112, %select_n3A_101 : vector<16xi1>, vector<16xf32>
      %scan3A_114 = arith.constant 78 : i32
      %scan3A_115 = arith.addi %scan3A, %scan3A_114 : i32
      %add3A_116 = arith.constant 4 : i32
      %add3A_117 = arith.addi %add3A_116, %scan3A_115 : i32
      %get3A_118 = arith.index_cast %add3A_117 : i32 to index
      %get3A_119 = arith.index_cast %sub3A_34 : i32 to index
      %get3A_120 = tpu.vector_load %arg5[%get3A_118, %get3A_119] {strides = array<i32>} : memref<84x128xf32, #tpu.memory_space<vmem>>, vector<16xf32>,
      %gt3A_121 = arith.cmpf ogt, %get3A_120, %select_n3A_111 : vector<16xf32>
      %convert_element_type3A_122 = arith.sitofp %scan3A_115 : i32 to f32
      %select_n3A_123 = arith.select %gt3A_121, %get3A_120, %select_n3A_111 : vector<16xi1>, vector<16xf32>
      %broadcast_in_dim3A_124 = vector.broadcast %convert_element_type3A_122 : f32 to vector<16xf32>
      %select_n3A_125 = arith.select %gt3A_121, %broadcast_in_dim3A_124, %select_n3A_113 : vector<16xi1>, vector<16xf32>
      %scan3A_126 = arith.constant 79 : i32
      %get3A_127 = arith.constant 0 : i32
      %get3A_128 = arith.index_cast %get3A_127 : i32 to index
      %get3A_129 = arith.index_cast %sub3A_34 : i32 to index
      %get3A_130 = tpu.vector_load %arg5[%get3A_128, %get3A_129] {strides = array<i32>} : memref<84x128xf32, #tpu.memory_space<vmem>>, vector<16xf32>,
      %get3A_131 = arith.constant 1 : i32
      %get3A_132 = arith.index_cast %get3A_131 : i32 to index
      %get3A_133 = arith.index_cast %sub3A_34 : i32 to index
      %get3A_134 = tpu.vector_load %arg5[%get3A_132, %get3A_133] {strides = array<i32>} : memref<84x128xf32, #tpu.memory_space<vmem>>, vector<16xf32>,
      %get3A_135 = arith.constant 2 : i32
      %get3A_136 = arith.index_cast %get3A_135 : i32 to index
      %get3A_137 = arith.index_cast %sub3A_34 : i32 to index
      %get3A_138 = tpu.vector_load %arg5[%get3A_136, %get3A_137] {strides = array<i32>} : memref<84x128xf32, #tpu.memory_space<vmem>>, vector<16xf32>,
      %get3A_139 = arith.constant 3 : i32
      %get3A_140 = arith.index_cast %get3A_139 : i32 to index
      %get3A_141 = arith.index_cast %sub3A_34 : i32 to index
      %get3A_142 = tpu.vector_load %arg5[%get3A_140, %get3A_141] {strides = array<i32>} : memref<84x128xf32, #tpu.memory_space<vmem>>, vector<16xf32>,
      %get3A_143 = arith.constant 0 : index
      %get3A_144 = tpu.vector_load %arg6[%get3A_143] {strides = array<i32>} : memref<16xf32, #tpu.memory_space<vmem>>, vector<16xf32>,
      %iota3A = tpu.iota {dimensions = array<i32: 0>} : vector<16xi32>
      %broadcast_in_dim3A_145 = arith.constant 0.000000e+00 : f32
      %broadcast_in_dim3A_146 = vector.broadcast %broadcast_in_dim3A_145 : f32 to vector<16xf32>
      %convert_element_type3A_147 = arith.fptosi %broadcast_in_dim3A_146 : vector<16xf32> to vector<16xi32>
      tpu.vector_store_idx %arg7[%iota3A, %convert_element_type3A_147], %broadcast_in_dim3A_146 : memref<16x7xf32, #tpu.memory_space<vmem>>[vector<16xi32>, vector<16xi32>], vector<16xf32>,
      %slice3A = vector.extract_strided_slice %get3A_144 {offsets = [0], sizes = [1], strides = [1]} : vector<16xf32> to vector<1xf32>
      %squeeze3A = vector.extract %slice3A[0] : f32 from vector<1xf32>
      %mul3A_148 = vector.broadcast %squeeze3A : f32 to vector<16xf32>
      %mul3A_149 = arith.mulf %get3A_130, %mul3A_148 : vector<16xf32>
      %slice3A_150 = vector.extract_strided_slice %get3A_144 {offsets = [4], sizes = [1], strides = [1]} : vector<16xf32> to vector<1xf32>
      %squeeze3A_151 = vector.extract %slice3A_150[0] : f32 from vector<1xf32>
      %mul3A_152 = vector.broadcast %squeeze3A_151 : f32 to vector<16xf32>
      %mul3A_153 = arith.mulf %get3A_134, %mul3A_152 : vector<16xf32>
      %add3A_154 = arith.addf %mul3A_149, %mul3A_153 : vector<16xf32>
      %slice3A_155 = vector.extract_strided_slice %get3A_144 {offsets = [8], sizes = [1], strides = [1]} : vector<16xf32> to vector<1xf32>
      %squeeze3A_156 = vector.extract %slice3A_155[0] : f32 from vector<1xf32>
      %mul3A_157 = vector.broadcast %squeeze3A_156 : f32 to vector<16xf32>
      %mul3A_158 = arith.mulf %get3A_138, %mul3A_157 : vector<16xf32>
      %add3A_159 = arith.addf %add3A_154, %mul3A_158 : vector<16xf32>
      %slice3A_160 = vector.extract_strided_slice %get3A_144 {offsets = [12], sizes = [1], strides = [1]} : vector<16xf32> to vector<1xf32>
      %squeeze3A_161 = vector.extract %slice3A_160[0] : f32 from vector<1xf32>
      %mul3A_162 = vector.broadcast %squeeze3A_161 : f32 to vector<16xf32>
      %mul3A_163 = arith.mulf %get3A_142, %mul3A_162 : vector<16xf32>
      %add3A_164 = arith.addf %add3A_159, %mul3A_163 : vector<16xf32>
      %broadcast_in_dim3A_165 = arith.constant 1 : i32
      %broadcast_in_dim3A_166 = vector.broadcast %broadcast_in_dim3A_165 : i32 to vector<16xi32>
      tpu.vector_store_idx %arg7[%iota3A, %broadcast_in_dim3A_166], %add3A_164 : memref<16x7xf32, #tpu.memory_space<vmem>>[vector<16xi32>, vector<16xi32>], vector<16xf32>,
      %slice3A_167 = vector.extract_strided_slice %get3A_144 {offsets = [1], sizes = [1], strides = [1]} : vector<16xf32> to vector<1xf32>
      %squeeze3A_168 = vector.extract %slice3A_167[0] : f32 from vector<1xf32>
      %mul3A_169 = vector.broadcast %squeeze3A_168 : f32 to vector<16xf32>
      %mul3A_170 = arith.mulf %get3A_130, %mul3A_169 : vector<16xf32>
      %slice3A_171 = vector.extract_strided_slice %get3A_144 {offsets = [5], sizes = [1], strides = [1]} : vector<16xf32> to vector<1xf32>
      %squeeze3A_172 = vector.extract %slice3A_171[0] : f32 from vector<1xf32>
      %mul3A_173 = vector.broadcast %squeeze3A_172 : f32 to vector<16xf32>
      %mul3A_174 = arith.mulf %get3A_134, %mul3A_173 : vector<16xf32>
      %add3A_175 = arith.addf %mul3A_170, %mul3A_174 : vector<16xf32>
      %slice3A_176 = vector.extract_strided_slice %get3A_144 {offsets = [9], sizes = [1], strides = [1]} : vector<16xf32> to vector<1xf32>
      %squeeze3A_177 = vector.extract %slice3A_176[0] : f32 from vector<1xf32>
      %mul3A_178 = vector.broadcast %squeeze3A_177 : f32 to vector<16xf32>
      %mul3A_179 = arith.mulf %get3A_138, %mul3A_178 : vector<16xf32>
      %add3A_180 = arith.addf %add3A_175, %mul3A_179 : vector<16xf32>
      %slice3A_181 = vector.extract_strided_slice %get3A_144 {offsets = [13], sizes = [1], strides = [1]} : vector<16xf32> to vector<1xf32>
      %squeeze3A_182 = vector.extract %slice3A_181[0] : f32 from vector<1xf32>
      %mul3A_183 = vector.broadcast %squeeze3A_182 : f32 to vector<16xf32>
      %mul3A_184 = arith.mulf %get3A_142, %mul3A_183 : vector<16xf32>
      %add3A_185 = arith.addf %add3A_180, %mul3A_184 : vector<16xf32>
      %broadcast_in_dim3A_186 = arith.constant 2 : i32
      %broadcast_in_dim3A_187 = vector.broadcast %broadcast_in_dim3A_186 : i32 to vector<16xi32>
      tpu.vector_store_idx %arg7[%iota3A, %broadcast_in_dim3A_187], %add3A_185 : memref<16x7xf32, #tpu.memory_space<vmem>>[vector<16xi32>, vector<16xi32>], vector<16xf32>,
      %slice3A_188 = vector.extract_strided_slice %get3A_144 {offsets = [2], sizes = [1], strides = [1]} : vector<16xf32> to vector<1xf32>
      %squeeze3A_189 = vector.extract %slice3A_188[0] : f32 from vector<1xf32>
      %mul3A_190 = vector.broadcast %squeeze3A_189 : f32 to vector<16xf32>
      %mul3A_191 = arith.mulf %get3A_130, %mul3A_190 : vector<16xf32>
      %slice3A_192 = vector.extract_strided_slice %get3A_144 {offsets = [6], sizes = [1], strides = [1]} : vector<16xf32> to vector<1xf32>
      %squeeze3A_193 = vector.extract %slice3A_192[0] : f32 from vector<1xf32>
      %mul3A_194 = vector.broadcast %squeeze3A_193 : f32 to vector<16xf32>
      %mul3A_195 = arith.mulf %get3A_134, %mul3A_194 : vector<16xf32>
      %add3A_196 = arith.addf %mul3A_191, %mul3A_195 : vector<16xf32>
      %slice3A_197 = vector.extract_strided_slice %get3A_144 {offsets = [10], sizes = [1], strides = [1]} : vector<16xf32> to vector<1xf32>
      %squeeze3A_198 = vector.extract %slice3A_197[0] : f32 from vector<1xf32>
      %mul3A_199 = vector.broadcast %squeeze3A_198 : f32 to vector<16xf32>
      %mul3A_200 = arith.mulf %get3A_138, %mul3A_199 : vector<16xf32>
      %add3A_201 = arith.addf %add3A_196, %mul3A_200 : vector<16xf32>
      %slice3A_202 = vector.extract_strided_slice %get3A_144 {offsets = [14], sizes = [1], strides = [1]} : vector<16xf32> to vector<1xf32>
      %squeeze3A_203 = vector.extract %slice3A_202[0] : f32 from vector<1xf32>
      %mul3A_204 = vector.broadcast %squeeze3A_203 : f32 to vector<16xf32>
      %mul3A_205 = arith.mulf %get3A_142, %mul3A_204 : vector<16xf32>
      %add3A_206 = arith.addf %add3A_201, %mul3A_205 : vector<16xf32>
      %broadcast_in_dim3A_207 = arith.constant 3 : i32
      %broadcast_in_dim3A_208 = vector.broadcast %broadcast_in_dim3A_207 : i32 to vector<16xi32>
      tpu.vector_store_idx %arg7[%iota3A, %broadcast_in_dim3A_208], %add3A_206 : memref<16x7xf32, #tpu.memory_space<vmem>>[vector<16xi32>, vector<16xi32>], vector<16xf32>,
      %slice3A_209 = vector.extract_strided_slice %get3A_144 {offsets = [3], sizes = [1], strides = [1]} : vector<16xf32> to vector<1xf32>
      %squeeze3A_210 = vector.extract %slice3A_209[0] : f32 from vector<1xf32>
      %mul3A_211 = vector.broadcast %squeeze3A_210 : f32 to vector<16xf32>
      %mul3A_212 = arith.mulf %get3A_130, %mul3A_211 : vector<16xf32>
      %slice3A_213 = vector.extract_strided_slice %get3A_144 {offsets = [7], sizes = [1], strides = [1]} : vector<16xf32> to vector<1xf32>
      %squeeze3A_214 = vector.extract %slice3A_213[0] : f32 from vector<1xf32>
      %mul3A_215 = vector.broadcast %squeeze3A_214 : f32 to vector<16xf32>
      %mul3A_216 = arith.mulf %get3A_134, %mul3A_215 : vector<16xf32>
      %add3A_217 = arith.addf %mul3A_212, %mul3A_216 : vector<16xf32>
      %slice3A_218 = vector.extract_strided_slice %get3A_144 {offsets = [11], sizes = [1], strides = [1]} : vector<16xf32> to vector<1xf32>
      %squeeze3A_219 = vector.extract %slice3A_218[0] : f32 from vector<1xf32>
      %mul3A_220 = vector.broadcast %squeeze3A_219 : f32 to vector<16xf32>
      %mul3A_221 = arith.mulf %get3A_138, %mul3A_220 : vector<16xf32>
      %add3A_222 = arith.addf %add3A_217, %mul3A_221 : vector<16xf32>
      %slice3A_223 = vector.extract_strided_slice %get3A_144 {offsets = [15], sizes = [1], strides = [1]} : vector<16xf32> to vector<1xf32>
      %squeeze3A_224 = vector.extract %slice3A_223[0] : f32 from vector<1xf32>
      %mul3A_225 = vector.broadcast %squeeze3A_224 : f32 to vector<16xf32>
      %mul3A_226 = arith.mulf %get3A_142, %mul3A_225 : vector<16xf32>
      %add3A_227 = arith.addf %add3A_222, %mul3A_226 : vector<16xf32>
      %broadcast_in_dim3A_228 = arith.constant 4 : i32
      %broadcast_in_dim3A_229 = vector.broadcast %broadcast_in_dim3A_228 : i32 to vector<16xi32>
      tpu.vector_store_idx %arg7[%iota3A, %broadcast_in_dim3A_229], %add3A_227 : memref<16x7xf32, #tpu.memory_space<vmem>>[vector<16xi32>, vector<16xi32>], vector<16xf32>,
      %broadcast_in_dim3A_230 = arith.constant 5 : i32
      %broadcast_in_dim3A_231 = vector.broadcast %broadcast_in_dim3A_230 : i32 to vector<16xi32>
      tpu.vector_store_idx %arg7[%iota3A, %broadcast_in_dim3A_231], %select_n3A_125 : memref<16x7xf32, #tpu.memory_space<vmem>>[vector<16xi32>, vector<16xi32>], vector<16xf32>,
      %broadcast_in_dim3A_232 = arith.constant 6 : i32
      %broadcast_in_dim3A_233 = vector.broadcast %broadcast_in_dim3A_232 : i32 to vector<16xi32>
      tpu.vector_store_idx %arg7[%iota3A, %broadcast_in_dim3A_233], %select_n3A_123 : memref<16x7xf32, #tpu.memory_space<vmem>>[vector<16xi32>, vector<16xi32>], vector<16xf32>,
      %lt3A_234 = arith.constant 6 : i32
      %lt3A_235 = arith.cmpi slt, %arg1, %lt3A_234 : i32
      %convert_element_type3A_236 = arith.extui %lt3A_235 : i1 to i32
      %cond3A_237 = arith.constant 0 : i32
      %cond3A_238 = arith.cmpi ne, %convert_element_type3A_236, %cond3A_237 : i32
      scf.if %cond3A_238 {
        %mul3A_243 = arith.constant 16 : i32
        %mul3A_244 = arith.muli %arg1, %mul3A_243 : i32
        "tpu.region"() ({
          %run_scoped3A = tpu.sem_alloc : memref<!tpu.dma_semaphore, #tpu.memory_space<semaphore_mem>>
          %dma_start3A_245 = arith.constant 0 : i32
          %dma_start3A_246 = tpu.memref_slice %arg4[%mul3A_244, %dma_start3A_245] : memref<104x7xf32, #tpu.memory_space<hbm>> -> memref<16x7xf32, #tpu.memory_space<hbm>>
          %dma_start3A_247 = arith.constant 0 : i32
          %dma_start3A_248 = tpu.memref_slice %arg4[%mul3A_244, %dma_start3A_247] : memref<104x7xf32, #tpu.memory_space<hbm>> -> memref<16x7xf32, #tpu.memory_space<hbm>>
          tpu.enqueue_dma source(%arg7 : memref<16x7xf32, #tpu.memory_space<vmem>>) target(%dma_start3A_248 : memref<16x7xf32, #tpu.memory_space<hbm>>) target_semaphore(%run_scoped3A : memref<!tpu.dma_semaphore, #tpu.memory_space<semaphore_mem>>)
          %dma_wait3A_249 = arith.constant 0 : i32
          %dma_wait3A_250 = tpu.memref_slice %arg4[%mul3A_244, %dma_wait3A_249] : memref<104x7xf32, #tpu.memory_space<hbm>> -> memref<16x7xf32, #tpu.memory_space<hbm>>
          %dma_wait3A_251 = arith.constant 0 : i32
          %dma_wait3A_252 = tpu.memref_slice %arg4[%mul3A_244, %dma_wait3A_251] : memref<104x7xf32, #tpu.memory_space<hbm>> -> memref<16x7xf32, #tpu.memory_space<hbm>>
          tpu.wait_dma2 semaphore(%run_scoped3A : memref<!tpu.dma_semaphore, #tpu.memory_space<semaphore_mem>>) src(%arg7 : memref<16x7xf32, #tpu.memory_space<vmem>>) dst(%dma_wait3A_252 : memref<16x7xf32, #tpu.memory_space<hbm>>)
          tpu.yield
        }) : () -> ()
      } else {
      }
      %eq3A = arith.constant 6 : i32
      %eq3A_239 = arith.cmpi eq, %arg1, %eq3A : i32
      %convert_element_type3A_240 = arith.extui %eq3A_239 : i1 to i32
      %cond3A_241 = arith.constant 0 : i32
      %cond3A_242 = arith.cmpi ne, %convert_element_type3A_240, %cond3A_241 : i32
      scf.if %cond3A_242 {
        "tpu.region"() ({
          %run_scoped3A = tpu.sem_alloc : memref<!tpu.dma_semaphore, #tpu.memory_space<semaphore_mem>>
          %dma_start3A_243 = arith.constant 0 : i32
          %dma_start3A_244 = arith.constant 0 : i32
          %dma_start3A_245 = tpu.memref_slice %arg7[%dma_start3A_243, %dma_start3A_244] : memref<16x7xf32, #tpu.memory_space<vmem>> -> memref<8x7xf32, #tpu.memory_space<vmem>>
          %dma_start3A_246 = arith.constant 96 : i32
          %dma_start3A_247 = arith.constant 0 : i32
          %dma_start3A_248 = tpu.memref_slice %arg4[%dma_start3A_246, %dma_start3A_247] : memref<104x7xf32, #tpu.memory_space<hbm>> -> memref<8x7xf32, #tpu.memory_space<hbm>>
          %dma_start3A_249 = arith.constant 96 : i32
          %dma_start3A_250 = arith.constant 0 : i32
          %dma_start3A_251 = tpu.memref_slice %arg4[%dma_start3A_249, %dma_start3A_250] : memref<104x7xf32, #tpu.memory_space<hbm>> -> memref<8x7xf32, #tpu.memory_space<hbm>>
          %dma_start3A_252 = arith.constant 0 : i32
          %dma_start3A_253 = arith.constant 0 : i32
          %dma_start3A_254 = tpu.memref_slice %arg7[%dma_start3A_252, %dma_start3A_253] : memref<16x7xf32, #tpu.memory_space<vmem>> -> memref<8x7xf32, #tpu.memory_space<vmem>>
          tpu.enqueue_dma source(%dma_start3A_254 : memref<8x7xf32, #tpu.memory_space<vmem>>) target(%dma_start3A_251 : memref<8x7xf32, #tpu.memory_space<hbm>>) target_semaphore(%run_scoped3A : memref<!tpu.dma_semaphore, #tpu.memory_space<semaphore_mem>>)
          %dma_wait3A_255 = arith.constant 0 : i32
          %dma_wait3A_256 = arith.constant 0 : i32
          %dma_wait3A_257 = tpu.memref_slice %arg7[%dma_wait3A_255, %dma_wait3A_256] : memref<16x7xf32, #tpu.memory_space<vmem>> -> memref<8x7xf32, #tpu.memory_space<vmem>>
          %dma_wait3A_258 = arith.constant 96 : i32
          %dma_wait3A_259 = arith.constant 0 : i32
          %dma_wait3A_260 = tpu.memref_slice %arg4[%dma_wait3A_258, %dma_wait3A_259] : memref<104x7xf32, #tpu.memory_space<hbm>> -> memref<8x7xf32, #tpu.memory_space<hbm>>
          %dma_wait3A_261 = arith.constant 96 : i32
          %dma_wait3A_262 = arith.constant 0 : i32
          %dma_wait3A_263 = tpu.memref_slice %arg4[%dma_wait3A_261, %dma_wait3A_262] : memref<104x7xf32, #tpu.memory_space<hbm>> -> memref<8x7xf32, #tpu.memory_space<hbm>>
          %dma_wait3A_264 = arith.constant 0 : i32
          %dma_wait3A_265 = arith.constant 0 : i32
          %dma_wait3A_266 = tpu.memref_slice %arg7[%dma_wait3A_264, %dma_wait3A_265] : memref<16x7xf32, #tpu.memory_space<vmem>> -> memref<8x7xf32, #tpu.memory_space<vmem>>
          tpu.wait_dma2 semaphore(%run_scoped3A : memref<!tpu.dma_semaphore, #tpu.memory_space<semaphore_mem>>) src(%dma_wait3A_266 : memref<8x7xf32, #tpu.memory_space<vmem>>) dst(%dma_wait3A_263 : memref<8x7xf32, #tpu.memory_space<hbm>>)
          tpu.yield
        }) : () -> ()
      } else {
      }
    } else {
    }
    return
  }
}

</mosaic_0001>

<sc_bundles>
// kernel: kernel.3.cloned.1.call-start
scs
__scs_entry_jumppad:
0x0: {  	(pc) =	sbr.rel $0x88, $3  }
0x1: {  	(tag) =	ssettag $0x0;
	lr =	simm.s32 $0x1  }
0x2: {  	[smem:$0x3F9F] =	sst lr;
	_ =	strace $0xD0000000  }
0x3: {  	_ = 	snop  }
0x4: {  	_ = 	snop  }
0x5: {  	_ = 	snop  }
0x6: {  	_ = 	snop  }
0x7: {  	_ = 	snop  }
__scs_overlays_trampoline_lowered:
0x8: {  	[smem:$0x3FAE] =	sst s0  }
0x9: {  	[smem:$0x3FAF] =	sst s1  }
0xa: {  	[smem:$0x3FB0] =	sst s2  }
0xb: {  	[smem:$0x3FB1] =	sst s3  }
0xc: {  	[smem:$0x3FB2] =	sst s4  }
0xd: {  	[smem:$0x3FB3] =	sst s5  }
0xe: {  	[smem:$0x3FB4] =	sst s6  }
0xf: {  	[smem:$0x3FB5] =	sst s7  }
0x10: {  	[smem:$0x3FB6] =	sst s8  }
0x11: {  	[smem:$0x3FB7] =	sst s9;
	s0 =	simm.s32 @!p0 $0x0  }
0x12: {  	s1 =	sld [smem:$0x3F9D];
	s0 =	simm.s32 @p0 $0x1  }
0x13: {  	[smem:$0x3FB8] =	sst s0;
	s0 =	simm.s32 @!p1 $0x0  }
0x14: {  	s2 =	sld [smem:$0x3F9C];
	s0 =	simm.s32 @p1 $0x1  }
0x15: {  	[smem:$0x3FB9] =	sst s0;
	s0 =	simm.s32 @!p2 $0x0  }
0x16: {  	s3 =	sld [smem:$0x3FDB];
	s0 =	simm.s32 @p2 $0x1  }
0x17: {  	s4 =	simm.s32 $0x1BF5;
	[smem:$0x3FBB] =	sst s0  }
0x18: {  	s0 =	sld [smem:$0x3F9E];
	_ =	swait.ge [sflag:s4], $0x0  }
0x19: {  	s7 =	sld [smem:$0x3F9F]  }
0x1a: {  	s8 =	sadd.s32 $0xFFFFE003, lr  }
0x1b: {  	s9 =	sadd.s32 $0xFFFFFEF7, lr;
	s5 =	simm.s32 $0xFFFFFFFF;
	p2 =	slt.u32 s8, $0xFFFFF086  }
0x1c: {  	p1 =	slt.u32 s9, $0xF7A;
	s5 =	simm.s32 @!p2 $0x0  }
0x1d: {  	s5 =	simm.s32 @p1 $0x1;
	p0 =	seq.s32 s7, s2  }
0x1e: {  	s7 =	smul.u32 @!p0 $0xF7A, s2;
	p2 =	seq.s32 @!p0 s5, $0x0  }
0x1f: {  	s9 =	smul.u32 $0xF7A, s1;
	s8 =	simm.s32 @!p0 $0x1BF5;
	p2 =	por !p2, p0  }
0x20: {  	[sflag:s8] =	ssyncset.s32 @!p0 $0xFFFFF086;
	s6 =	sadd.s32 @!p0 s3, s7;
	s7 =	simm.s32 @!p0 $0x108  }
0x21: {  	s3 =	sadd.s32 s3, s9;
	s6 =	sadd.s32 @!p0 $0x88, s6;
	s7 =	simm.s32 @p2 $0x1082  }
0x22: {  	[simem:s7], [sflag:s8] =	dma.local @!p0 [hbm:s6], $0xF7A  }
0x23: {  	s9 =	sor.u32 $0xD0000000, s2;
	s6 =	simm.s32 $0x108;
	_ =	swait.ge @!p0 [sflag:s8], $0x0  }
0x24: {  	s3 =	sadd.s32 $0x88, s3;
	s6 =	simm.s32 @!p1 $0x1082;
	[sflag:s4] =	ssyncset.s32 $0xFFFFF086  }
0x25: {  	[simem:s6], [sflag:s4] =	dma.local [hbm:s3], $0xF7A  }
0x26: {  	[smem:$0x3F9F] =	sst s1;
	(tag) =	ssettag s2;
	_ =	strace s9  }
0x27: {  	s1 =	sld [smem:$0x3FAF]  }
0x28: {  	s2 =	sld [smem:$0x3FB0]  }
0x29: {  	s4 =	sld [smem:$0x3FB2]  }
0x2a: {  	p0 =	seq.s32 s5, $0x0;
	s5 =	sld [smem:$0x3FB3]  }
0x2b: {  	s6 =	sld [smem:$0x3FB4]  }
0x2c: {  	s7 =	sld [smem:$0x3FB5]  }
0x2d: {  	s3 =	simm.s32 $0x108;
	s8 =	sld [smem:$0x3FB6]  }
0x2e: {  	s3 =	simm.s32 @!p0 $0x1082;
	s9 =	sld [smem:$0x3FB7]  }
0x2f: {  	lr =	sadd.s32 s0, s3;
	s0 =	sld [smem:$0x3FAE]  }
0x30: {  	s3 =	sld [smem:$0x3FB1]  }
0x31: {  	[smem:$0x3FBA] =	sst s10  }
0x32: {  	s10 =	sld [smem:$0x3FB8];
	_ =	sdelay $0x3  }
0x33: {  	p0 =	seq.s32 s10, $0x1;
	s10 =	sld [smem:$0x3FBA];
	_ =	sdelay $0x3  }
0x34: {  	[smem:$0x3FBA] =	sst s10  }
0x35: {  	s10 =	sld [smem:$0x3FB9];
	_ =	sdelay $0x3  }
0x36: {  	p1 =	seq.s32 s10, $0x1;
	s10 =	sld [smem:$0x3FBA];
	_ =	sdelay $0x3  }
0x37: {  	[smem:$0x3FBA] =	sst s10  }
0x38: {  	s10 =	sld [smem:$0x3FBB]  }
0x39: {  	_ = 	snop;
	(pc) =	sbr.ind lr, $3  }
0x3a: {  	_ = 	snop  }
0x3b: {  	_ = 	snop  }
0x3c: {  	p2 =	seq.s32 s10, $0x1;
	s10 =	sld [smem:$0x3FBA]  }
0x3d: {  	_ =	shalt  }
0x3e: {  	_ =	shalt  }
0x3f: {  	_ =	shalt  }
0x40: {  	_ =	shalt  }
0x41: {  	_ =	shalt  }
0x42: {  	_ =	shalt  }
0x43: {  	_ =	shalt  }
0x44: {  	_ =	shalt  }
0x45: {  	_ =	shalt  }
0x46: {  	_ =	shalt  }
0x47: {  	_ =	shalt  }
0x48: {  	_ =	shalt  }
0x49: {  	_ =	shalt  }
0x4a: {  	_ =	shalt  }
0x4b: {  	_ =	shalt  }
0x4c: {  	_ =	shalt  }
0x4d: {  	_ =	shalt  }
0x4e: {  	_ =	shalt  }
0x4f: {  	_ =	shalt  }
0x50: {  	_ =	shalt  }
0x51: {  	_ =	shalt  }
0x52: {  	_ =	shalt  }
0x53: {  	_ =	shalt  }
0x54: {  	_ =	shalt  }
0x55: {  	_ =	shalt  }
0x56: {  	_ =	shalt  }
0x57: {  	_ =	shalt  }
0x58: {  	_ =	shalt  }
0x59: {  	_ =	shalt  }
0x5a: {  	_ =	shalt  }
0x5b: {  	_ =	shalt  }
0x5c: {  	_ =	shalt  }
0x5d: {  	_ =	shalt  }
0x5e: {  	_ =	shalt  }
0x5f: {  	_ =	shalt  }
0x60: {  	_ =	shalt  }
0x61: {  	_ =	shalt  }
0x62: {  	_ =	shalt  }
0x63: {  	_ =	shalt  }
0x64: {  	_ =	shalt  }
0x65: {  	_ =	shalt  }
0x66: {  	_ =	shalt  }
0x67: {  	_ =	shalt  }
0x68: {  	_ =	shalt  }
0x69: {  	_ =	shalt  }
0x6a: {  	_ =	shalt  }
0x6b: {  	_ =	shalt  }
0x6c: {  	_ =	shalt  }
0x6d: {  	_ =	shalt  }
0x6e: {  	_ =	shalt  }
0x6f: {  	_ =	shalt  }
0x70: {  	_ =	shalt  }
0x71: {  	_ =	shalt  }
0x72: {  	_ =	shalt  }
0x73: {  	_ =	shalt  }
0x74: {  	_ =	shalt  }
0x75: {  	_ =	shalt  }
0x76: {  	_ =	shalt  }
0x77: {  	_ =	shalt  }
0x78: {  	_ =	shalt  }
0x79: {  	_ =	shalt  }
0x7a: {  	_ =	shalt  }
0x7b: {  	_ =	shalt  }
0x7c: {  	_ =	shalt  }
0x7d: {  	_ =	shalt  }
0x7e: {  	_ =	shalt  }
0x7f: {  	_ =	shalt  }
0x80: {  	_ =	shalt  }
0x81: {  	_ =	shalt  }
0x82: {  	_ =	shalt  }
0x83: {  	_ =	shalt  }
0x84: {  	_ =	shalt  }
0x85: {  	_ =	shalt  }
0x86: {  	_ =	shalt  }
0x87: {  	_ =	shalt  }
.Lfunc_end0:
.L_simem_size_0:
called_computation_lowered:
.L_overlay_start_0:
0x88: {  	s0 =	sld [smem:$0x3FD9]  }
0x89: {  	s1 =	sld [smem:$0x3FFE];
	_ =	sdelay $0x3  }
0x8a: {  	s0 =	sadd.s32 s1, s0  }
0x8b: {  	[smem:$0x3FC6] =	sst s0  }
0x8c: {  	_ = 	snop  }
0x8d: {  	s0 =	sld [smem:$0x3FD0];
	(tm) =	ssettm $0x1  }
0x8e: {  	s16 =	sld [smem:$0x3FFB];
	_ =	sdelay $0x3  }
0x8f: {  	_ =	strace s16  }
0x90: {  	s1 =	sld [smem:$0x3FFC];
	_ =	sdelay $0x3  }
0x91: {  	_ =	strace s1  }
0x92: {  	s1 =	sld [smem:$0x3FFD];
	_ =	sdelay $0x3  }
0x93: {  	_ =	strace s1  }
0x94: {  	_ =	strace $0x8FFFFFFF  }
0x95: {  	s17 =	sld [smem:$0x3FDB];
	_ =	sdelay $0x1  }
0x96: {  	s2 =	simm.s32 $_scs_section_size  }
0x97: {  	s3 =	simm.s32 $_size__tile_overlayer_lowered;
	s4 =	simm.s32 $_tile_overlayer_lowered  }
0x98: {  	s20 =	simm.s32 $0x1BFF;
	s19 =	sshll.u32 s4, $0x1;
	s1 =	sadd.s32 s2, s17  }
0x99: {  	s5 =	simm.s32 $0x0;
	s18 =	sshll.u32 s3, $0x1;
	s3 =	sadd.s32 s19, s1  }
0x9a: {  	[timem:s5], [sflag:s20] =	dma.local [hbm:s3], s18  }
0x9b: {  	_ =	swait.ge [sflag:s20], s18  }
0x9c: {  	s2 =	ssub.s32 $0x0, s18;
	[sflag:s20] =	ssyncset.done $0x0  }
0x9d: {  	[sflag:s20] =	ssyncadd.s32 s2;
	_ =	sdelay $0x1  }
0x9e: {  	s21 =	simm.s32 $0x1B8B  }
0x9f: {  	_ =	swait.ge [sflag:s21], $0x1  }
0xa0: {  	[sflag:s21] =	ssyncset.done $0x0  }
0xa1: {  	s23 =	simm.s32 $0x1B8E;
	s22 =	sld [smem:$0x3FFE];
	[sflag:s21] =	ssyncadd.s32 $0xFFFFFFFF  }
0xa2: {  	s24 =	simm.s32 $execute0_lowered;
	[smem:$0x3FD2] =	sst s23  }
0xa3: {  	s3 =	sshll.u32 s24, $0x1;
	_ =	strace $0x80000046;
	[dreg:$0x1] =	wrdreg $0xFFFFFFFF  }
0xa4: {  	s25 =	simm.s32 $_size_execute0_lowered;
	s1 =	sadd.s32 s1, s3;
	[dreg:$0x0] =	wrdreg $0x0  }
0xa5: {  	s3 =	sshll.u32 s25, $0x1;
	[dreg:$0x2] =	wrdreg s1  }
0xa6: {  	[dreg:$0x3] =	wrdreg s3  }
0xa7: {  	[dreg:$0x4] =	wrdreg $0xC0  }
0xa8: {  	_ =	task [dreg:s5], $0x5FFFF  }
0xa9: {  	[dreg:$0x1] =	wrdreg $0xFFFFFFFF  }
0xaa: {  	[dreg:$0x0] =	wrdreg $0x60  }
0xab: {  	[dreg:$0x2] =	wrdreg s22  }
0xac: {  	[dreg:$0x3] =	wrdreg s0  }
0xad: {  	[dreg:$0x4] =	wrdreg $0x9  }
0xae: {  	_ =	task.clear_ibuf [dreg:s5], $0x5FFFF;
	_ =	strace $0x90000046  }
0xaf: {  	s26 =	simm.s32 $0x9;
	_ =	strace $0x80000048  }
0xb0: {  	_ =	swait.ge [sflag:s26], $0x1  }
0xb1: {  	[sflag:s26] =	ssyncadd.s32 $0xFFFFFFFF  }
0xb2: {  	_ =	strace $0x90000048  }
0xb3: {  	_ =	sfence  }
0xb4: {  	s28 =	sld [smem:$0x0];
	_ =	sdelay $0x1  }
0xb5: {  	s29 =	srdreg.scid  }
0xb6: {  	s30 =	sshll.u32 s29, $0xD;
	s31 =	sshrl.u32 s29, $0x2  }
0xb7: {  	s2 =	sand.u32 $0x4000, s30;
	s1 =	sand.u32 $0x1, s29;
	s0 =	sadd.s32 s31, s28  }
0xb8: {  	s1 =	sor.u32 s2, s1;
	s0 =	sshll.u32 s0, $0x11  }
0xb9: {  	s0 =	sor.u32 s0, s1  }
0xba: {  	s0 =	sadd.s32 $0x8F2B, s0  }
0xbb: {  	[sflag:s0] =	ssyncadd.remote.s32 $0x1  }
0xbc: {  	_ =	sfence.sel $0xFFFF  }
0xbd: {  	[dreg:$0x0] =	wrdreg $0xFFFFFFFF;
	(pc) =	sbr.abs _section_cstart, $3  }
0xbe: {  	[dreg:$0x1] =	wrdreg $0xFFFFFFFF  }
0xbf: {  	_ =	task.clear_ibuf [dreg:s5], $0x2FFFF;
	_ =	strace $0x9FFFFFFF  }
0xc0: {  	(tm) =	ssettm $0x7FFFFFFF  }
0xc1: {  	_ =	shalt  }
tec
execute0_lowered:
.L_overlay_start_1:
0x0: {  	(tag) =	ssettag $0x1  }
0x1: {  	s1 =	stileid.u32  }
0x2: {  	p0 =	sgt.u32 s1, $0x6  }
.Ltmp0:
0x3: {  	_ = 	snop;
	(pc) =	sbr.rel @p0 .LBB2_4-.Ltmp0, $4  }
0x4: {  	s2 =	rddreg [dreg:$0x0]  }
0x5: {  	s3 =	rddreg [dreg:$0x1];
	s4 =	simm.s32 $0x0  }
0x6: {  	[smem:$0x7FF] =	sst s4  }
0x7: {  	s0 =	rddreg [dreg:$0x2];
	_ =	strace $0x80000047  }
0x8: {  	s5 =	sshll.u32 s1, $0x4  }
0x9: {  	s6 =	sadd.s32 $0x60, s5  }
0xa: {  	s12 =	sadd.s32 $0xA00, s2;
	s7 =	sand.u32 $0x80, s6  }
0xb: {  	s13 =	simm.s32 $0x400;
	s8 =	simm.s32 $0x800;
	s5 =	sadd.s32 s12, s7  }
0xc: {  	[tilespmem:s4], [sflag:$0x1] =	stream.strided.gather [hbm4b:s5+s13], $0x2800, s8, s13, $0x38;
	[tilespmem:$0x3480] =	vst v63  }
0xd: {  	s14 =	simm.s32 $0x2800;
	s5 =	sadd.s32 $0xA00, s5  }
0xe: {  	[tilespmem:s14], [sflag:$0x1] =	stream.linear.gather [hbm4b:s5+s4], $0x200, $0x38;
	[tilespmem:$0x3480] =	vst v63  }
0xf: {  	s15 =	simm.s32 $0x2C00;
	s5 =	simm.s32 $0x1  }
0x10: {  	[tilespmem:s15], [sflag:$0x2] =	stream.linear.gather [hbm4b:s3+s4], $0x80, $0x38;
	[tilespmem:$0x3480] =	vst v63  }
0x11: {  	_ =	swait.ge [sflag:s5], $0x2A00  }
0x12: {  	[sflag:s5] =	ssyncset.done $0x0  }
0x13: {  	s16 =	simm.s32 $0x2;
	[sflag:s5] =	ssyncadd.s32 $0xFFFFD600  }
0x14: {  	s17 =	sadd.s32 $0x6, s1;
	_ =	swait.ge [sflag:s16], $0x80  }
0x15: {  	s18 =	sand.u32 $0x7, s17;
	[sflag:s16] =	ssyncset.done $0x0  }
0x16: {  	s19 =	sshll.u32 s18, $0x4;
	s3 =	sand.u32 $0x70, s6;
	[sflag:s16] =	ssyncadd.s32 $0xFFFFFF80  }
0x17: {  	s20 =	sor.u32 $0x300, s19;
	v0 =	vld [tilespmem:s3+$0x200]  }
0x18: {  	v1 =	vld [tilespmem:s20+$0xFFFFFF80];
	_ =	sdelay $0x1  }
0x19: {  	v2 =	vld [tilespmem:s20+$0x0];
	_ =	sdelay $0x1  }
0x1a: {  	v3 =	vld [tilespmem:s20+$0x80]  }
0x1b: {  	vm0 =	vgt.f32 v1, v0  }
0x1c: {  	v0 =	vsel vm0, v1, v0;
	v1 =	vld [tilespmem:s20+$0x100]  }
0x1d: {  	vm1 =	vgt.f32 v2, v0  }
0x1e: {  	s22 =	simm.s32 $0x2;
	s21 =	scvt.s32.f32 s5;
	v0 =	vsel vm1, v2, v0  }
0x1f: {  	v4 =	vimm.f32 $0.0e+00;
	s23 =	simm.s32 $0x3;
	s7 =	scvt.s32.f32 s22;
	v2 =	vld [tilespmem:s20+$0x180];
	vm2 =	vgt.f32 v3, v0  }
0x20: {  	s25 =	simm.s32 $0x4;
	s24 =	scvt.s32.f32 s23;
	v4 =	vsel vm0, s21, v4;
	v0 =	vsel vm2, v3, v0  }
0x21: {  	s28 =	scvt.s32.f32 s25;
	v4 =	vsel vm1, s7, v4;
	v3 =	vld [tilespmem:s20+$0x200];
	vm13 =	vgt.f32 v1, v0  }
0x22: {  	v1 =	vsel vm13, v1, v0;
	v0 =	vsel vm2, s24, v4  }
0x23: {  	s29 =	simm.s32 $0x5;
	v4 =	vsel vm13, s28, v0;
	v0 =	vld [tilespmem:s20+$0x280]  }
0x24: {  	s26 =	sadd.s32 $0x1600, s2;
	s30 =	simm.s32 $0x6;
	s8 =	scvt.s32.f32 s29;
	vm14 =	vgt.f32 v2, v1  }
0x25: {  	s9 =	sshll.u32 s1, $0x8;
	s10 =	simm.s32 $0x7;
	s31 =	scvt.s32.f32 s30;
	v5 =	vsel vm14, v2, v1;
	v1 =	vld [tilespmem:s20+$0x300]  }
0x26: {  	s2 =	sadd.s32 s26, s9;
	s9 =	scvt.s32.f32 s10;
	s7 =	sadd.s32 $0x400, s20;
	v6 =	vsel vm14, s8, v4;
	vm15 =	vgt.f32 v3, v5  }
0x27: {  	s4 =	sadd.s32 $0x600, s26;
	s6 =	simm.s32 $0x9;
	v2 =	vld [tilespmem:s7+$0xFFFFFF80];
	s8 =	simm.s32 $0x11;
	v4 =	vsel vm15, v3, v5;
	v3 =	vsel vm15, s31, v6  }
.LBB2_2:
0x28: {  	p0 =	slt.u32 s8, $0x41;
	vm0 =	vgt.f32 v0, v4;
	s10 =	sadd.s32 $0x7, s5;
	s5 =	smov.u32 s6  }
0x29: {  	s6 =	smov.u32 s8;
	v5 =	vld [tilespmem:s7+$0x0];
	v0 =	vsel vm0, v0, v4;
	v3 =	vsel vm0, s9, v3;
	s9 =	scvt.s32.f32 s10  }
0x2a: {  	vm0 =	vgt.f32 v1, v0  }
0x2b: {  	s10 =	scvt.s32.f32 s5;
	v4 =	vld [tilespmem:s7+$0x80];
	v0 =	vsel vm0, v1, v0;
	v1 =	vsel vm0, s9, v3  }
0x2c: {  	s9 =	sadd.s32 $0x1, s5;
	vm0 =	vgt.f32 v2, v0  }
0x2d: {  	s9 =	scvt.s32.f32 s9;
	v0 =	vsel vm0, v2, v0;
	v1 =	vsel vm0, s10, v1;
	v2 =	vld [tilespmem:s7+$0x100]  }
0x2e: {  	s10 =	sadd.s32 $0x2, s5;
	vm0 =	vgt.f32 v5, v0  }
0x2f: {  	v0 =	vsel vm0, v5, v0;
	v1 =	vsel vm0, s9, v1;
	s9 =	scvt.s32.f32 s10;
	v3 =	vld [tilespmem:s7+$0x180]  }
0x30: {  	s10 =	sadd.s32 $0x3, s5;
	vm0 =	vgt.f32 v4, v0  }
0x31: {  	v0 =	vsel vm0, v4, v0;
	v1 =	vsel vm0, s9, v1;
	s9 =	scvt.s32.f32 s10;
	v4 =	vld [tilespmem:s7+$0x200]  }
0x32: {  	s10 =	sadd.s32 $0x4, s5;
	vm0 =	vgt.f32 v2, v0  }
.Ltmp1:
0x33: {  	v2 =	vsel vm0, v2, v0;
	v1 =	vsel vm0, s9, v1;
	s9 =	scvt.s32.f32 s10;
	v0 =	vld [tilespmem:s7+$0x280];
	(pc) =	sbr.rel @p0 .LBB2_2-.Ltmp1, $4  }
0x34: {  	s10 =	sadd.s32 $0x5, s5;
	vm0 =	vgt.f32 v3, v2  }
0x35: {  	v3 =	vsel vm0, v3, v2;
	v5 =	vsel vm0, s9, v1;
	s9 =	scvt.s32.f32 s10;
	v1 =	vld [tilespmem:s7+$0x300]  }
0x36: {  	s10 =	sadd.s32 $0x6, s5;
	s7 =	sadd.s32 $0x400, s7;
	vm0 =	vgt.f32 v4, v3  }
0x37: {  	s8 =	sadd.s32 $0x8, s8;
	v2 =	vld [tilespmem:s7+$0xFFFFFF80];
	v4 =	vsel vm0, v4, v3;
	v3 =	vsel vm0, s9, v5;
	s9 =	scvt.s32.f32 s10  }
0x38: {  	vm0 =	vgt.f32 v0, v4  }
0x39: {  	v5 =	vld [tilespmem:s7+$0x0];
	v0 =	vsel vm0, v0, v4  }
0x3a: {  	vm1 =	vgt.f32 v1, v0  }
0x3b: {  	v26 =	vld [tilespmem:s7+$0x80];
	v0 =	vsel vm1, v1, v0  }
0x3c: {  	s5 =	sadd.s32 $0x7, s5;
	vm2 =	vgt.f32 v2, v0  }
0x3d: {  	v27 =	vld [tilespmem:s7+$0x100];
	v13 =	vlaneseq.u32;
	s5 =	scvt.s32.f32 s5;
	v0 =	vsel vm2, v2, v0  }
0x3e: {  	v35 =	vld [tilespmem:$0x2C00];
	v3 =	vsel vm0, s9, v3;
	v13 =	vmul.u32 $0x80, v13;
	vm3 =	vgt.f32 v5, v0  }
0x3f: {  	v28 =	vld [tilespmem:s7+$0x180];
	v59 =	vimm.f32 $0.0e+00;
	v3 =	vsel vm1, s5, v3;
	v0 =	vsel vm3, v5, v0  }
0x40: {  	v16 =	vor.u32 $0x1, v13;
	v54 =	vor.u32 $0x2, v13;
	vm4 =	vgt.f32 v26, v0  }
0x41: {  	v29 =	vld [tilespmem:s7+$0x200];
	s16 =	scvt.s32.f32 s6;
	v58 =	vor.u32 $0x3, v13;
	v60 =	vor.u32 $0x4, v13;
	v0 =	vsel vm4, v26, v0  }
0x42: {  	v30 =	vld [tilespmem:s7+$0x280];
	v61 =	vor.u32 $0x5, v13;
	v63 =	vor.u32 $0x6, v13;
	vm5 =	vgt.f32 v27, v0  }
0x43: {  	v31 =	vld [tilespmem:s7+$0x300];
	v3 =	vsel vm2, s16, v3;
	v9 =	vbroadcast v35, $0x0;
	v0 =	vsel vm5, v27, v0  }
0x44: {  	v32 =	vld [tilespmem:s3+$0x2680];
	v10 =	vbroadcast v35, $0x4;
	v40 =	vbroadcast v35, $0x8;
	vm6 =	vgt.f32 v28, v0  }
0x45: {  	v36 =	vld [tilespmem:s3+$0x0];
	v11 =	vbroadcast v35, $0xC;
	v12 =	vbroadcast v35, $0x1;
	v0 =	vsel vm6, v28, v0  }
0x46: {  	v7 =	vld [tilespmem:s3+$0x80];
	v42 =	vbroadcast v35, $0x5;
	v44 =	vbroadcast v35, $0x9;
	vm15 =	vgt.f32 v29, v0  }
0x47: {  	v8 =	vld [tilespmem:s3+$0x100];
	v14 =	vbroadcast v35, $0xD;
	v15 =	vbroadcast v35, $0x2;
	v0 =	vsel vm15, v29, v0  }
0x48: {  	s8 =	sadd.s32 $0x1, s6;
	v38 =	vld [tilespmem:s3+$0x180];
	v46 =	vbroadcast v35, $0x6;
	v49 =	vbroadcast v35, $0xA;
	vm7 =	vgt.f32 v30, v0  }
0x49: {  	v33 =	vld [tilespmem:s3+$0x2700];
	s17 =	scvt.s32.f32 s8;
	v50 =	vbroadcast v35, $0x3;
	v51 =	vbroadcast v35, $0x7;
	v0 =	vsel vm7, v30, v0  }
0x4a: {  	v52 =	vbroadcast v35, $0xE;
	v55 =	vbroadcast v35, $0xB;
	vm8 =	vgt.f32 v31, v0  }
0x4b: {  	v34 =	vld [tilespmem:s3+$0x2780];
	v2 =	vbroadcast v35, $0xF;
	v3 =	vsel vm3, s17, v3;
	v0 =	vsel vm8, v31, v0  }
0x4c: {  	v9 =	vmul.f32 v9, v36;
	v39 =	vmul.f32 v10, v7;
	vm9 =	vgt.f32 v32, v0  }
0x4d: {  	v6 =	vld [tilespmem:s3+$0x2800];
	v41 =	vmul.f32 v40, v8;
	v11 =	vmul.f32 v11, v38;
	v0 =	vsel vm9, v32, v0  }
0x4e: {  	s18 =	sadd.s32 $0x2, s6;
	v12 =	vmul.f32 v12, v36;
	v43 =	vmul.f32 v42, v7;
	vm10 =	vgt.f32 v33, v0  }
0x4f: {  	s20 =	sadd.s32 $0x3, s6;
	s19 =	scvt.s32.f32 s18;
	v45 =	vmul.f32 v44, v8;
	v47 =	vmul.f32 v14, v38;
	v0 =	vsel vm10, v33, v0  }
0x50: {  	s22 =	sadd.s32 $0x4, s6;
	s21 =	scvt.s32.f32 s20;
	v48 =	vmul.f32 v15, v36;
	v10 =	vmul.f32 v46, v7;
	vm11 =	vgt.f32 v34, v0  }
0x51: {  	s24 =	sadd.s32 $0x5, s6;
	s23 =	scvt.s32.f32 s22;
	v4 =	vmul.f32 v50, v36;
	v3 =	vsel vm4, s19, v3;
	v0 =	vsel vm11, v34, v0  }
0x52: {  	s26 =	sadd.s32 $0x6, s6;
	s25 =	scvt.s32.f32 s24;
	v7 =	vmul.f32 v51, v7;
	v3 =	vsel vm5, s21, v3;
	vm12 =	vgt.f32 v6, v0  }
0x53: {  	s29 =	sadd.s32 $0x7, s6;
	s28 =	scvt.s32.f32 s26;
	v3 =	vsel vm6, s23, v3;
	v0 =	vsel vm12, v6, v0;
	v6 =	vadd.f32 v39, v9  }
0x54: {  	v37 =	vld [tilespmem:s3+$0x2880];
	s30 =	scvt.s32.f32 s29;
	v56 =	vmul.f32 v52, v38;
	v2 =	vmul.f32 v2, v38;
	v3 =	vsel vm15, s25, v3  }
0x55: {  	v10 =	vadd.f32 v10, v48;
	v3 =	vsel vm7, s28, v3;
	v1 =	vadd.f32 v6, v41  }
0x56: {  	v53 =	vld [tilespmem:s3+$0x2900];
	v4 =	vadd.f32 v7, v4;
	v3 =	vsel vm8, s30, v3;
	v9 =	vadd.f32 v43, v12  }
0x57: {  	v3 =	vsel vm9, $0x42920000, v3;
	v1 =	vadd.f32 v1, v11;
	v11 =	vmul.f32 v49, v8  }
0x58: {  	v57 =	vld [tilespmem:s3+$0x2980];
	s31 =	simm.s32 $0x2C80;
	v3 =	vsel vm10, $0x42940000, v3;
	v6 =	vadd.f32 v9, v45;
	v8 =	vmul.f32 v55, v8  }
0x59: {  	[tilespmem:v13+s31+$0x0] =	vst.idx.msk $0xffff, v59;
	v3 =	vsel vm11, $0x42960000, v3;
	vm13 =	vgt.f32 v37, v0;
	v10 =	vadd.f32 v10, v11  }
0x5a: {  	v0 =	vsel vm13, v37, v0;
	v6 =	vadd.f32 v6, v47;
	v4 =	vadd.f32 v4, v8  }
0x5b: {  	v62 =	vsel vm12, $0x42980000, v3;
	vm14 =	vgt.f32 v53, v0;
	[tilespmem:v16+s31+$0x0] =	vst.idx.msk $0xffff, v1;
	v10 =	vadd.f32 v10, v56  }
0x5c: {  	v0 =	vsel vm14, v53, v0;
	v1 =	vsel vm13, $0x429A0000, v62;
	[tilespmem:v54+s31+$0x0] =	vst.idx.msk $0xffff, v6;
	v2 =	vadd.f32 v4, v2  }
0x5d: {  	vm15 =	vgt.f32 v57, v0;
	v1 =	vsel vm14, $0x429C0000, v1;
	[tilespmem:v58+s31+$0x0] =	vst.idx.msk $0xffff, v10  }
0x5e: {  	v1 =	vsel vm15, $0x429E0000, v1;
	[tilespmem:v60+s31+$0x0] =	vst.idx.msk $0xffff, v2  }
0x5f: {  	p0 =	seq.s32 s1, $0x6;
	v0 =	vsel vm15, v57, v0;
	[tilespmem:v61+s31+$0x0] =	vst.idx.msk $0xffff, v1  }
0x60: {  	s3 =	simm.s32 @p0 $0x0;
	s5 =	simm.s32 @p0 $0x2C80;
	[tilespmem:v63+s31+$0x0] =	vst.idx.msk $0xffff, v0  }
0x61: {  	[hbm4b:s4+s3] =	stream.linear.scatter @p0 [tilespmem:s5], [sflag:$0x3], $0x400, $0x38;
	[tilespmem:$0x3480] =	vst v63  }
0x62: {  	s3 =	simm.s32 @p0 $0x3  }
0x63: {  	_ =	swait.ge @p0 [sflag:s3], $0x400  }
0x64: {  	[sflag:s3] =	ssyncset.done @p0 $0x0  }
0x65: {  	s4 =	simm.s32 @!p0 $0x2C80;
	[sflag:s3] =	ssyncadd.s32 @p0 $0xFFFFFC00;
	s3 =	simm.s32 @!p0 $0x0  }
0x66: {  	[hbm4b:s2+s3] =	stream.linear.scatter @!p0 [tilespmem:s4], [sflag:$0x3], $0x800, $0x38;
	[tilespmem:$0x3480] =	vst v63  }
0x67: {  	s2 =	simm.s32 @!p0 $0x3  }
0x68: {  	_ =	swait.ge @!p0 [sflag:s2], $0x800  }
0x69: {  	[sflag:s2] =	ssyncset.done @!p0 $0x0  }
0x6a: {  	[sflag:s2] =	ssyncadd.s32 @!p0 $0xFFFFF800  }
.LBB2_4:
0x6b: {  	_ =	sfence.sel $0x180000  }
0x6c: {  	[bflag:$0x0] =	sbarrier.arrive $0xFFFF  }
0x6d: {  	p0 =	sne.s32 s1, $0x0;
	_ =	strace $0x90000047  }
0x6e: {  	s0 =	sadd.s32 @!p0 $0x100000, s0;
	[bflag:$0x2] =	sbarrier.arrive $0xFFFF  }
0x6f: {  	[sflag:s0] =	ssyncadd.tile.s32 @!p0 $0x1;
	_ =	shalt  }
.Lfunc_end2:
_tile_overlayer_lowered:
.L_overlay_start_2:
0x70: {  	(tag) =	ssettag $0x2  }
0x71: {  	s0 =	rddreg [dreg:$0x0];
	s2 =	stileid.u32  }
0x72: {  	s1 =	rddreg [dreg:$0x1];
	p0 =	sne.s32 s2, $0x0  }
0x73: {  	s3 =	rddreg [dreg:$0x2];
	[bflag:$0x3] =	sbarrier.arrive $0xFFFF;
	s2 =	simm.s32 @!p0 $0x1C03  }
0x74: {  	[timem:s3], [sflag:s2] =	dma.local @!p0 [hbm:s0], s1  }
0x75: {  	s0 =	simm.s32 @!p0 $0x3  }
0x76: {  	_ =	swait.ge @!p0 [sflag:s0], s1  }
0x77: {  	s1 =	ssub.s32 @!p0 $0x0, s1;
	[sflag:s0] =	ssyncset.done @!p0 $0x0  }
0x78: {  	[sflag:s0] =	ssyncadd.s32 @!p0 s1  }
0x79: {  	[bflag:$0x3] =	sbarrier.arrive $0xFFFF  }
0x7a: {  	_ =	shalt  }

</sc_bundles>
